<compile_context>
chip_gen: v7x
topology: tpu7x:2x2x1
jax: 0.10.2.dev20260603
libtpu: 0.0.44.dev20260713+nightly
codegen_flags: <defaults>
</compile_context>

<pallas_src>
import jax
import jax.numpy as jnp
from jax import lax
from jax.experimental import pallas as pl
from jax.experimental.pallas import tpu as pltpu
from jax.experimental.pallas import tpu_sc as plsc

_N, _C, _M = 1024, 81, 28
_P = _M * _M
_MT = 20
_P0 = _MT * _M
_PSC = _P - _P0
_NW = 32
_NG = _N // 16

_L1P = (
    0.9999987635044436,
    -0.499871915934771,
    0.33112051909778917,
    -0.23514863754146653,
    0.14943458362588757,
    -0.06658804993609893,
    0.014202825621286636,
)


def _log1p_poly(u):
    q = jnp.full((16,), _L1P[6], jnp.float32)
    for c in _L1P[5::-1]:
        q = q * u + c
    return u * q


def _sc_body(x_hbm, lbl_hbm, t_hbm, out_hbm, slab, tslab, lblv, accv):
    wid = lax.axis_index("s") * 2 + lax.axis_index("c")
    pltpu.sync_copy(lbl_hbm, lblv)

    def pos_body(k, acc):
        p = _P0 + k * _NW + wid
        m1 = p // _M
        m2 = p % _M
        pltpu.sync_copy(x_hbm.at[m1, m2], slab)
        pltpu.sync_copy(t_hbm.at[m1, pl.ds(m2, 1)], tslab)

        def grp_body(g, acc_g):
            off = g * 16
            nidx = lax.iota(jnp.int32, 16) + off
            lbl16 = lblv[pl.ds(off, 16)]
            x16 = plsc.load_gather(slab, [lbl16, nidx])
            t16 = tslab[0, pl.ds(off, 16)]
            u = jnp.exp(-jnp.abs(x16))
            bce = jnp.maximum(x16, 0.0) - x16 * t16 + _log1p_poly(u)
            return acc_g + bce

        return lax.fori_loop(0, _NG, grp_body, acc)

    n_k = _PSC // _NW + jnp.where(wid < _PSC % _NW, 1, 0)
    acc = lax.fori_loop(0, n_k, pos_body, jnp.zeros((16,), jnp.float32))
    accv[...] = acc
    pltpu.sync_copy(accv, out_hbm.at[pl.ds(wid * 16, 16)])


def _tc_body(labels_ref, x_ref, t_ref, out_ref):
    i = pl.program_id(0)
    lbl = labels_ref[...]
    ci = lax.broadcasted_iota(jnp.int32, (_C, _N), 0)
    oh = (ci == lbl).astype(jnp.float32)
    x = x_ref[0]
    sel = jnp.sum(x * oh[None], axis=1)
    t = t_ref[0]
    bce = jnp.maximum(sel, 0.0) - sel * t + jnp.log1p(jnp.exp(-jnp.abs(sel)))
    s = jnp.sum(bce)
    prev = jnp.where(i == 0, 0.0, out_ref[0, 0])
    out_ref[0, 0] = prev + s


def kernel(mask_logits, labels, mask_targets):
    xt = jnp.transpose(mask_logits, (2, 3, 1, 0))
    tt = jnp.transpose(mask_targets, (1, 2, 0))
    lbl = labels.astype(jnp.int32)

    sc_fn = pl.kernel(
        _sc_body,
        out_type=jax.ShapeDtypeStruct((_NW * 16,), jnp.float32),
        mesh=plsc.VectorSubcoreMesh(core_axis_name="c", subcore_axis_name="s"),
        scratch_types=[
            pltpu.VMEM((_C, _N), jnp.float32),
            pltpu.VMEM((1, _N), jnp.float32),
            pltpu.VMEM((_N,), jnp.int32),
            pltpu.VMEM((16,), jnp.float32),
        ],
        compiler_params=pltpu.CompilerParams(needs_layout_passes=False),
    )
    sc_parts = sc_fn(xt, lbl, tt)

    grid_spec = pltpu.PrefetchScalarGridSpec(
        num_scalar_prefetch=0,
        grid=(_MT,),
        in_specs=[
            pl.BlockSpec((1, _N), lambda i: (0, 0)),
            pl.BlockSpec((1, _M, _C, _N), lambda i: (i, 0, 0, 0)),
            pl.BlockSpec((1, _M, _N), lambda i: (i, 0, 0)),
        ],
        out_specs=pl.BlockSpec(memory_space=pltpu.SMEM),
    )
    tc_sum = pl.pallas_call(
        _tc_body,
        grid_spec=grid_spec,
        out_shape=jax.ShapeDtypeStruct((1, 1), jnp.float32),
    )(lbl.reshape(1, _N), xt, tt)

    return (tc_sum[0, 0] + jnp.sum(sc_parts)) / (_N * _P)

# --- scband reference (transcript-rebuilt; emitter-appended) ---
"""Pipeline reference for scband-mask-rcnnwrap-up-50397146251674 (READ-ONLY COPY).

The authoritative reference and input builder live on the scoring server;
editing this copy changes nothing except your own understanding.
"""

import jax, jax.numpy as jnp
import numpy as np


def setup_inputs(seed: int = 0) -> dict:
    key = jax.random.key(seed)
    k1, k2, k3 = jax.random.split(key, 3)
    N, C, M = 1024, 81, 28
    mask_logits = jax.random.normal(k1, (N, C, M, M), dtype=jnp.float32)
    labels = jax.random.randint(k2, (N,), 0, C, dtype=jnp.int64)
    mask_targets = jax.random.uniform(k3, (N, M, M), dtype=jnp.float32)
    return {"mask_logits": mask_logits, "labels": labels, "mask_targets": mask_targets}


def _bce_with_logits(logits, targets):
    # numerically-stable binary_cross_entropy_with_logits, mean reduction
    return jnp.mean(jnp.maximum(logits, 0.0) - logits * targets + jnp.log1p(jnp.exp(-jnp.abs(logits))))


def reference(mask_logits, labels, mask_targets):
    # Training-mode MaskRCNNWrapUp: maskrcnn_loss.
    # Gather the mask channel corresponding to each proposal's GT label,
    # then BCE-with-logits against the projected GT masks.
    n = mask_logits.shape[0]
    selected = mask_logits[jnp.arange(n), labels]  # [N, M, M]
    loss_mask = _bce_with_logits(selected, mask_targets)
    return loss_mask

if __name__ == "__main__":
    import jax
    _d = setup_inputs()
    print(jax.jit(kernel)(*tuple(_d.values())))

</pallas_src>

<mosaic_0001>
#map = affine_map<(d0, d1) -> (0, 0, 0, 0)>
#map1 = affine_map<(d0, d1) -> (0)>
#map2 = affine_map<(d0, d1) -> (0, 0, 0)>
module attributes {stable_mosaic.version = 14 : i64} {
  func.func @_sc_body(%arg0: i32, %arg1: i32, %arg2: memref<28x28x81x1024xf32, #tpu.memory_space<hbm>>, %arg3: memref<1024xi32, #tpu.memory_space<hbm>>, %arg4: memref<28x28x1024xf32, #tpu.memory_space<hbm>>, %arg5: memref<512xf32, #tpu.memory_space<hbm>>, %arg6: memref<81x1024xf32, #tpu.memory_space<vmem>>, %arg7: memref<1x1024xf32, #tpu.memory_space<vmem>>, %arg8: memref<1024xi32, #tpu.memory_space<vmem>>, %arg9: memref<16xf32, #tpu.memory_space<vmem>>) attributes {dimension_semantics = [#tpu.dimension_semantics<core_parallel>, #tpu.dimension_semantics<subcore_parallel>], iteration_bounds = array<i64: 2, 16>, scalar_prefetch = 0 : i64, scratch_operands = 4 : i64, tpu.core_type = #tpu.core_type<sc_vector_subcore>, window_params = [{transform_indices = #map}, {transform_indices = #map1}, {transform_indices = #map2}, {transform_indices = #map1}]} {
    %mul3A = arith.constant 2 : i32
    %mul3A_0 = arith.muli %arg1, %mul3A : i32
    %add3A = arith.addi %mul3A_0, %arg0 : i32
    "tpu.region"() ({
      %run_scoped3A = tpu.sem_alloc : memref<!tpu.dma_semaphore, #tpu.memory_space<semaphore_mem>>
      tpu.enqueue_dma source(%arg3 : memref<1024xi32, #tpu.memory_space<hbm>>) target(%arg8 : memref<1024xi32, #tpu.memory_space<vmem>>) target_semaphore(%run_scoped3A : memref<!tpu.dma_semaphore, #tpu.memory_space<semaphore_mem>>)
      tpu.wait_dma2 semaphore(%run_scoped3A : memref<!tpu.dma_semaphore, #tpu.memory_space<semaphore_mem>>) src(%arg3 : memref<1024xi32, #tpu.memory_space<hbm>>) dst(%arg8 : memref<1024xi32, #tpu.memory_space<vmem>>)
      tpu.yield
    }) : () -> ()
    %lt3A = arith.constant 0 : i32
    %lt3A_1 = arith.cmpi slt, %add3A, %lt3A : i32
    %jit3A = arith.constant 1 : i32
    %jit3A_2 = arith.constant 0 : i32
    %select_n3A = arith.select %lt3A_1, %jit3A, %jit3A_2 : i32
    %add3A_3 = arith.constant 7 : i32
    %add3A_4 = arith.addi %add3A_3, %select_n3A : i32
    %broadcast_in_dim3A = arith.constant 0.000000e+00 : f32
    %broadcast_in_dim3A_5 = vector.broadcast %broadcast_in_dim3A : f32 to vector<16xf32>
    %while3A = arith.constant 0 : i32
    %while3A_6 = arith.subi %add3A_4, %while3A : i32
    %while3A_7 = arith.addi %while3A, %while3A_6 : i32
    %while3A_8 = arith.constant 1 : i32
    %while3A_9 = arith.divsi %while3A_6, %while3A_8 : i32
    %while3A_10 = arith.muli %while3A_9, %while3A_8 : i32
    %while3A_11 = arith.addi %while3A, %while3A_10 : i32
    %while3A_12 = arith.constant 1 : i32
    %while3A_13 = scf.for %while3A_19 = %while3A to %while3A_11 step %while3A_12 iter_args(%while3A_20 = %broadcast_in_dim3A_5) -> (vector<16xf32>)  : i32 {
      %mul3A_21 = arith.constant 32 : i32
      %mul3A_22 = arith.muli %while3A_19, %mul3A_21 : i32
      %add3A_23 = arith.constant 560 : i32
      %add3A_24 = arith.addi %add3A_23, %mul3A_22 : i32
      %add3A_25 = arith.addi %add3A_24, %add3A : i32
      %jit3A_26 = arith.constant 28 : i32
      %div3A = arith.divsi %add3A_25, %jit3A_26 : i32
      %sign3A = arith.constant 0 : i32
      %sign3A_27 = arith.cmpi sgt, %add3A_25, %sign3A : i32
      %sign3A_28 = arith.extui %sign3A_27 : i1 to i32
      %sign3A_29 = arith.constant 0 : i32
      %sign3A_30 = arith.cmpi slt, %add3A_25, %sign3A_29 : i32
      %sign3A_31 = arith.extui %sign3A_30 : i1 to i32
      %sign3A_32 = arith.subi %sign3A_28, %sign3A_31 : i32
      %sign3A_33 = arith.constant 0 : i32
      %sign3A_34 = arith.cmpi sgt, %jit3A_26, %sign3A_33 : i32
      %sign3A_35 = arith.extui %sign3A_34 : i1 to i32
      %sign3A_36 = arith.constant 0 : i32
      %sign3A_37 = arith.cmpi slt, %jit3A_26, %sign3A_36 : i32
      %sign3A_38 = arith.extui %sign3A_37 : i1 to i32
      %sign3A_39 = arith.subi %sign3A_35, %sign3A_38 : i32
      %ne3A = arith.cmpi ne, %sign3A_32, %sign3A_39 : i32
      %rem3A = arith.remsi %add3A_25, %jit3A_26 : i32
      %ne3A_40 = arith.constant 0 : i32
      %ne3A_41 = arith.cmpi ne, %rem3A, %ne3A_40 : i32
      %and3A = arith.andi %ne3A, %ne3A_41 : i1
      %sub3A = arith.constant 1 : i32
      %sub3A_42 = arith.subi %div3A, %sub3A : i32
      %select_n3A_43 = arith.select %and3A, %sub3A_42, %div3A : i32
      %jit3A_44 = arith.constant 28 : i32
      %eq3A = arith.constant 0 : i32
      %eq3A_45 = arith.cmpi eq, %jit3A_44, %eq3A : i32
      %jit3A_46 = arith.constant 1 : i32
      %select_n3A_47 = arith.select %eq3A_45, %jit3A_46, %jit3A_44 : i32
      %rem3A_48 = arith.remsi %add3A_25, %select_n3A_47 : i32
      %ne3A_49 = arith.constant 0 : i32
      %ne3A_50 = arith.cmpi ne, %rem3A_48, %ne3A_49 : i32
      %lt3A_51 = arith.constant 0 : i32
      %lt3A_52 = arith.cmpi slt, %rem3A_48, %lt3A_51 : i32
      %lt3A_53 = arith.constant 0 : i32
      %lt3A_54 = arith.cmpi slt, %select_n3A_47, %lt3A_53 : i32
      %ne3A_55 = arith.xori %lt3A_52, %lt3A_54 : i1
      %and3A_56 = arith.andi %ne3A_55, %ne3A_50 : i1
      %add3A_57 = arith.addi %rem3A_48, %select_n3A_47 : i32
      %select_n3A_58 = arith.select %and3A_56, %add3A_57, %rem3A_48 : i32
      "tpu.region"() ({
        %run_scoped3A = tpu.sem_alloc : memref<!tpu.dma_semaphore, #tpu.memory_space<semaphore_mem>>
        %dma_start3A = arith.constant 0 : i32
        %dma_start3A_64 = arith.constant 0 : i32
        %dma_start3A_65 = tpu.memref_slice %arg2[%select_n3A_43, %select_n3A_58, %dma_start3A, %dma_start3A_64] : memref<28x28x81x1024xf32, #tpu.memory_space<hbm>> -> memref<1x1x81x1024xf32, #tpu.memory_space<hbm>>
        %dma_start3A_66 = tpu.memref_squeeze %dma_start3A_65 : memref<1x1x81x1024xf32, #tpu.memory_space<hbm>> -> memref<81x1024xf32, #tpu.memory_space<hbm>>
        %dma_start3A_67 = arith.constant 0 : i32
        %dma_start3A_68 = arith.constant 0 : i32
        %dma_start3A_69 = tpu.memref_slice %arg2[%select_n3A_43, %select_n3A_58, %dma_start3A_67, %dma_start3A_68] : memref<28x28x81x1024xf32, #tpu.memory_space<hbm>> -> memref<1x1x81x1024xf32, #tpu.memory_space<hbm>>
        %dma_start3A_70 = tpu.memref_squeeze %dma_start3A_69 : memref<1x1x81x1024xf32, #tpu.memory_space<hbm>> -> memref<81x1024xf32, #tpu.memory_space<hbm>>
        tpu.enqueue_dma source(%dma_start3A_70 : memref<81x1024xf32, #tpu.memory_space<hbm>>) target(%arg6 : memref<81x1024xf32, #tpu.memory_space<vmem>>) target_semaphore(%run_scoped3A : memref<!tpu.dma_semaphore, #tpu.memory_space<semaphore_mem>>)
        %dma_wait3A = arith.constant 0 : i32
        %dma_wait3A_71 = arith.constant 0 : i32
        %dma_wait3A_72 = tpu.memref_slice %arg2[%select_n3A_43, %select_n3A_58, %dma_wait3A, %dma_wait3A_71] : memref<28x28x81x1024xf32, #tpu.memory_space<hbm>> -> memref<1x1x81x1024xf32, #tpu.memory_space<hbm>>
        %dma_wait3A_73 = tpu.memref_squeeze %dma_wait3A_72 : memref<1x1x81x1024xf32, #tpu.memory_space<hbm>> -> memref<81x1024xf32, #tpu.memory_space<hbm>>
        %dma_wait3A_74 = arith.constant 0 : i32
        %dma_wait3A_75 = arith.constant 0 : i32
        %dma_wait3A_76 = tpu.memref_slice %arg2[%select_n3A_43, %select_n3A_58, %dma_wait3A_74, %dma_wait3A_75] : memref<28x28x81x1024xf32, #tpu.memory_space<hbm>> -> memref<1x1x81x1024xf32, #tpu.memory_space<hbm>>
        %dma_wait3A_77 = tpu.memref_squeeze %dma_wait3A_76 : memref<1x1x81x1024xf32, #tpu.memory_space<hbm>> -> memref<81x1024xf32, #tpu.memory_space<hbm>>
        tpu.wait_dma2 semaphore(%run_scoped3A : memref<!tpu.dma_semaphore, #tpu.memory_space<semaphore_mem>>) src(%dma_wait3A_77 : memref<81x1024xf32, #tpu.memory_space<hbm>>) dst(%arg6 : memref<81x1024xf32, #tpu.memory_space<vmem>>)
        tpu.yield
      }) : () -> ()
      "tpu.region"() ({
        %run_scoped3A = tpu.sem_alloc : memref<!tpu.dma_semaphore, #tpu.memory_space<semaphore_mem>>
        %dma_start3A = arith.constant 0 : i32
        %dma_start3A_64 = tpu.memref_slice %arg4[%select_n3A_43, %select_n3A_58, %dma_start3A] : memref<28x28x1024xf32, #tpu.memory_space<hbm>> -> memref<1x1x1024xf32, #tpu.memory_space<hbm>>
        %dma_start3A_65 = tpu.memref_squeeze %dma_start3A_64 : memref<1x1x1024xf32, #tpu.memory_space<hbm>> -> memref<1x1024xf32, #tpu.memory_space<hbm>>
        %dma_start3A_66 = arith.constant 0 : i32
        %dma_start3A_67 = tpu.memref_slice %arg4[%select_n3A_43, %select_n3A_58, %dma_start3A_66] : memref<28x28x1024xf32, #tpu.memory_space<hbm>> -> memref<1x1x1024xf32, #tpu.memory_space<hbm>>
        %dma_start3A_68 = tpu.memref_squeeze %dma_start3A_67 : memref<1x1x1024xf32, #tpu.memory_space<hbm>> -> memref<1x1024xf32, #tpu.memory_space<hbm>>
        tpu.enqueue_dma source(%dma_start3A_68 : memref<1x1024xf32, #tpu.memory_space<hbm>>) target(%arg7 : memref<1x1024xf32, #tpu.memory_space<vmem>>) target_semaphore(%run_scoped3A : memref<!tpu.dma_semaphore, #tpu.memory_space<semaphore_mem>>)
        %dma_wait3A = arith.constant 0 : i32
        %dma_wait3A_69 = tpu.memref_slice %arg4[%select_n3A_43, %select_n3A_58, %dma_wait3A] : memref<28x28x1024xf32, #tpu.memory_space<hbm>> -> memref<1x1x1024xf32, #tpu.memory_space<hbm>>
        %dma_wait3A_70 = tpu.memref_squeeze %dma_wait3A_69 : memref<1x1x1024xf32, #tpu.memory_space<hbm>> -> memref<1x1024xf32, #tpu.memory_space<hbm>>
        %dma_wait3A_71 = arith.constant 0 : i32
        %dma_wait3A_72 = tpu.memref_slice %arg4[%select_n3A_43, %select_n3A_58, %dma_wait3A_71] : memref<28x28x1024xf32, #tpu.memory_space<hbm>> -> memref<1x1x1024xf32, #tpu.memory_space<hbm>>
        %dma_wait3A_73 = tpu.memref_squeeze %dma_wait3A_72 : memref<1x1x1024xf32, #tpu.memory_space<hbm>> -> memref<1x1024xf32, #tpu.memory_space<hbm>>
        tpu.wait_dma2 semaphore(%run_scoped3A : memref<!tpu.dma_semaphore, #tpu.memory_space<semaphore_mem>>) src(%dma_wait3A_73 : memref<1x1024xf32, #tpu.memory_space<hbm>>) dst(%arg7 : memref<1x1024xf32, #tpu.memory_space<vmem>>)
        tpu.yield
      }) : () -> ()
      %scan3A = arith.constant 0 : i32
      %scan3A_59 = arith.constant 64 : i32
      %scan3A_60 = arith.addi %scan3A, %scan3A_59 : i32
      %scan3A_61 = arith.constant 1 : i32
      %scan3A_62 = scf.for %scan3A_64 = %scan3A to %scan3A_60 step %scan3A_61 iter_args(%scan3A_65 = %while3A_20) -> (vector<16xf32>)  : i32 {
        %mul3A_66 = arith.constant 16 : i32
        %mul3A_67 = arith.muli %scan3A_64, %mul3A_66 : i32
        %iota3A = tpu.iota {dimensions = array<i32: 0>} : vector<16xi32>
        %add3A_68 = vector.broadcast %mul3A_67 : i32 to vector<16xi32>
        %add3A_69 = arith.addi %iota3A, %add3A_68 : vector<16xi32>
        %get3A = arith.index_cast %mul3A_67 : i32 to index
        %get3A_70 = tpu.vector_load %arg8[%get3A] {strides = array<i32>} : memref<1024xi32, #tpu.memory_space<vmem>>, vector<16xi32>,
        %gather3A = tpu.vector_load_idx %arg6[%get3A_70, %add3A_69] : memref<81x1024xf32, #tpu.memory_space<vmem>>[vector<16xi32>, vector<16xi32>], vector<16xf32>,
        %get3A_71 = arith.constant 0 : i32
        %get3A_72 = arith.index_cast %get3A_71 : i32 to index
        %get3A_73 = arith.index_cast %mul3A_67 : i32 to index
        %get3A_74 = tpu.vector_load %arg7[%get3A_72, %get3A_73] {strides = array<i32>} : memref<1x1024xf32, #tpu.memory_space<vmem>>, vector<16xf32>,
        %abs3A = math.absf %gather3A : vector<16xf32>
        %neg3A = arith.constant 0.000000e+00 : f32
        %neg3A_75 = vector.broadcast %neg3A : f32 to vector<16xf32>
        %neg3A_76 = arith.subf %neg3A_75, %abs3A : vector<16xf32>
        %exp3A = math.exp %neg3A_76 : vector<16xf32>
        %max3A = arith.constant 0.000000e+00 : f32
        %max3A_77 = vector.broadcast %max3A : f32 to vector<16xf32>
        %max3A_78 = arith.maximumf %gather3A, %max3A_77 : vector<16xf32>
        %mul3A_79 = arith.mulf %gather3A, %get3A_74 : vector<16xf32>
        %sub3A_80 = arith.subf %max3A_78, %mul3A_79 : vector<16xf32>
        %broadcast_in_dim3A_81 = arith.constant 0.0142028257 : f32
        %broadcast_in_dim3A_82 = vector.broadcast %broadcast_in_dim3A_81 : f32 to vector<16xf32>
        %mul3A_83 = arith.mulf %broadcast_in_dim3A_82, %exp3A : vector<16xf32>
        %add3A_84 = arith.constant -0.0665880516 : f32
        %add3A_85 = vector.broadcast %add3A_84 : f32 to vector<16xf32>
        %add3A_86 = arith.addf %mul3A_83, %add3A_85 : vector<16xf32>
        %mul3A_87 = arith.mulf %add3A_86, %exp3A : vector<16xf32>
        %add3A_88 = arith.constant 0.149434581 : f32
        %add3A_89 = vector.broadcast %add3A_88 : f32 to vector<16xf32>
        %add3A_90 = arith.addf %mul3A_87, %add3A_89 : vector<16xf32>
        %mul3A_91 = arith.mulf %add3A_90, %exp3A : vector<16xf32>
        %add3A_92 = arith.constant -0.235148638 : f32
        %add3A_93 = vector.broadcast %add3A_92 : f32 to vector<16xf32>
        %add3A_94 = arith.addf %mul3A_91, %add3A_93 : vector<16xf32>
        %mul3A_95 = arith.mulf %add3A_94, %exp3A : vector<16xf32>
        %add3A_96 = arith.constant 0.331120521 : f32
        %add3A_97 = vector.broadcast %add3A_96 : f32 to vector<16xf32>
        %add3A_98 = arith.addf %mul3A_95, %add3A_97 : vector<16xf32>
        %mul3A_99 = arith.mulf %add3A_98, %exp3A : vector<16xf32>
        %add3A_100 = arith.constant -0.49987191 : f32
        %add3A_101 = vector.broadcast %add3A_100 : f32 to vector<16xf32>
        %add3A_102 = arith.addf %mul3A_99, %add3A_101 : vector<16xf32>
        %mul3A_103 = arith.mulf %add3A_102, %exp3A : vector<16xf32>
        %add3A_104 = arith.constant 0.999998748 : f32
        %add3A_105 = vector.broadcast %add3A_104 : f32 to vector<16xf32>
        %add3A_106 = arith.addf %mul3A_103, %add3A_105 : vector<16xf32>
        %mul3A_107 = arith.mulf %exp3A, %add3A_106 : vector<16xf32>
        %add3A_108 = arith.addf %sub3A_80, %mul3A_107 : vector<16xf32>
        %add3A_109 = arith.addf %scan3A_65, %add3A_108 : vector<16xf32>
        scf.yield %add3A_109 : vector<16xf32>
      }
      %scan3A_63 = arith.constant 64 : i32
      scf.yield %scan3A_62 : vector<16xf32>
    }
    %while3A_14 = arith.constant 1 : i32
    %while3A_15 = scf.for %while3A_19 = %while3A_11 to %while3A_7 step %while3A_14 iter_args(%while3A_20 = %while3A_13) -> (vector<16xf32>)  : i32 {
      %mul3A_21 = arith.constant 32 : i32
      %mul3A_22 = arith.muli %while3A_19, %mul3A_21 : i32
      %add3A_23 = arith.constant 560 : i32
      %add3A_24 = arith.addi %add3A_23, %mul3A_22 : i32
      %add3A_25 = arith.addi %add3A_24, %add3A : i32
      %jit3A_26 = arith.constant 28 : i32
      %div3A = arith.divsi %add3A_25, %jit3A_26 : i32
      %sign3A = arith.constant 0 : i32
      %sign3A_27 = arith.cmpi sgt, %add3A_25, %sign3A : i32
      %sign3A_28 = arith.extui %sign3A_27 : i1 to i32
      %sign3A_29 = arith.constant 0 : i32
      %sign3A_30 = arith.cmpi slt, %add3A_25, %sign3A_29 : i32
      %sign3A_31 = arith.extui %sign3A_30 : i1 to i32
      %sign3A_32 = arith.subi %sign3A_28, %sign3A_31 : i32
      %sign3A_33 = arith.constant 0 : i32
      %sign3A_34 = arith.cmpi sgt, %jit3A_26, %sign3A_33 : i32
      %sign3A_35 = arith.extui %sign3A_34 : i1 to i32
      %sign3A_36 = arith.constant 0 : i32
      %sign3A_37 = arith.cmpi slt, %jit3A_26, %sign3A_36 : i32
      %sign3A_38 = arith.extui %sign3A_37 : i1 to i32
      %sign3A_39 = arith.subi %sign3A_35, %sign3A_38 : i32
      %ne3A = arith.cmpi ne, %sign3A_32, %sign3A_39 : i32
      %rem3A = arith.remsi %add3A_25, %jit3A_26 : i32
      %ne3A_40 = arith.constant 0 : i32
      %ne3A_41 = arith.cmpi ne, %rem3A, %ne3A_40 : i32
      %and3A = arith.andi %ne3A, %ne3A_41 : i1
      %sub3A = arith.constant 1 : i32
      %sub3A_42 = arith.subi %div3A, %sub3A : i32
      %select_n3A_43 = arith.select %and3A, %sub3A_42, %div3A : i32
      %jit3A_44 = arith.constant 28 : i32
      %eq3A = arith.constant 0 : i32
      %eq3A_45 = arith.cmpi eq, %jit3A_44, %eq3A : i32
      %jit3A_46 = arith.constant 1 : i32
      %select_n3A_47 = arith.select %eq3A_45, %jit3A_46, %jit3A_44 : i32
      %rem3A_48 = arith.remsi %add3A_25, %select_n3A_47 : i32
      %ne3A_49 = arith.constant 0 : i32
      %ne3A_50 = arith.cmpi ne, %rem3A_48, %ne3A_49 : i32
      %lt3A_51 = arith.constant 0 : i32
      %lt3A_52 = arith.cmpi slt, %rem3A_48, %lt3A_51 : i32
      %lt3A_53 = arith.constant 0 : i32
      %lt3A_54 = arith.cmpi slt, %select_n3A_47, %lt3A_53 : i32
      %ne3A_55 = arith.xori %lt3A_52, %lt3A_54 : i1
      %and3A_56 = arith.andi %ne3A_55, %ne3A_50 : i1
      %add3A_57 = arith.addi %rem3A_48, %select_n3A_47 : i32
      %select_n3A_58 = arith.select %and3A_56, %add3A_57, %rem3A_48 : i32
      "tpu.region"() ({
        %run_scoped3A = tpu.sem_alloc : memref<!tpu.dma_semaphore, #tpu.memory_space<semaphore_mem>>
        %dma_start3A = arith.constant 0 : i32
        %dma_start3A_64 = arith.constant 0 : i32
        %dma_start3A_65 = tpu.memref_slice %arg2[%select_n3A_43, %select_n3A_58, %dma_start3A, %dma_start3A_64] : memref<28x28x81x1024xf32, #tpu.memory_space<hbm>> -> memref<1x1x81x1024xf32, #tpu.memory_space<hbm>>
        %dma_start3A_66 = tpu.memref_squeeze %dma_start3A_65 : memref<1x1x81x1024xf32, #tpu.memory_space<hbm>> -> memref<81x1024xf32, #tpu.memory_space<hbm>>
        %dma_start3A_67 = arith.constant 0 : i32
        %dma_start3A_68 = arith.constant 0 : i32
        %dma_start3A_69 = tpu.memref_slice %arg2[%select_n3A_43, %select_n3A_58, %dma_start3A_67, %dma_start3A_68] : memref<28x28x81x1024xf32, #tpu.memory_space<hbm>> -> memref<1x1x81x1024xf32, #tpu.memory_space<hbm>>
        %dma_start3A_70 = tpu.memref_squeeze %dma_start3A_69 : memref<1x1x81x1024xf32, #tpu.memory_space<hbm>> -> memref<81x1024xf32, #tpu.memory_space<hbm>>
        tpu.enqueue_dma source(%dma_start3A_70 : memref<81x1024xf32, #tpu.memory_space<hbm>>) target(%arg6 : memref<81x1024xf32, #tpu.memory_space<vmem>>) target_semaphore(%run_scoped3A : memref<!tpu.dma_semaphore, #tpu.memory_space<semaphore_mem>>)
        %dma_wait3A = arith.constant 0 : i32
        %dma_wait3A_71 = arith.constant 0 : i32
        %dma_wait3A_72 = tpu.memref_slice %arg2[%select_n3A_43, %select_n3A_58, %dma_wait3A, %dma_wait3A_71] : memref<28x28x81x1024xf32, #tpu.memory_space<hbm>> -> memref<1x1x81x1024xf32, #tpu.memory_space<hbm>>
        %dma_wait3A_73 = tpu.memref_squeeze %dma_wait3A_72 : memref<1x1x81x1024xf32, #tpu.memory_space<hbm>> -> memref<81x1024xf32, #tpu.memory_space<hbm>>
        %dma_wait3A_74 = arith.constant 0 : i32
        %dma_wait3A_75 = arith.constant 0 : i32
        %dma_wait3A_76 = tpu.memref_slice %arg2[%select_n3A_43, %select_n3A_58, %dma_wait3A_74, %dma_wait3A_75] : memref<28x28x81x1024xf32, #tpu.memory_space<hbm>> -> memref<1x1x81x1024xf32, #tpu.memory_space<hbm>>
        %dma_wait3A_77 = tpu.memref_squeeze %dma_wait3A_76 : memref<1x1x81x1024xf32, #tpu.memory_space<hbm>> -> memref<81x1024xf32, #tpu.memory_space<hbm>>
        tpu.wait_dma2 semaphore(%run_scoped3A : memref<!tpu.dma_semaphore, #tpu.memory_space<semaphore_mem>>) src(%dma_wait3A_77 : memref<81x1024xf32, #tpu.memory_space<hbm>>) dst(%arg6 : memref<81x1024xf32, #tpu.memory_space<vmem>>)
        tpu.yield
      }) : () -> ()
      "tpu.region"() ({
        %run_scoped3A = tpu.sem_alloc : memref<!tpu.dma_semaphore, #tpu.memory_space<semaphore_mem>>
        %dma_start3A = arith.constant 0 : i32
        %dma_start3A_64 = tpu.memref_slice %arg4[%select_n3A_43, %select_n3A_58, %dma_start3A] : memref<28x28x1024xf32, #tpu.memory_space<hbm>> -> memref<1x1x1024xf32, #tpu.memory_space<hbm>>
        %dma_start3A_65 = tpu.memref_squeeze %dma_start3A_64 : memref<1x1x1024xf32, #tpu.memory_space<hbm>> -> memref<1x1024xf32, #tpu.memory_space<hbm>>
        %dma_start3A_66 = arith.constant 0 : i32
        %dma_start3A_67 = tpu.memref_slice %arg4[%select_n3A_43, %select_n3A_58, %dma_start3A_66] : memref<28x28x1024xf32, #tpu.memory_space<hbm>> -> memref<1x1x1024xf32, #tpu.memory_space<hbm>>
        %dma_start3A_68 = tpu.memref_squeeze %dma_start3A_67 : memref<1x1x1024xf32, #tpu.memory_space<hbm>> -> memref<1x1024xf32, #tpu.memory_space<hbm>>
        tpu.enqueue_dma source(%dma_start3A_68 : memref<1x1024xf32, #tpu.memory_space<hbm>>) target(%arg7 : memref<1x1024xf32, #tpu.memory_space<vmem>>) target_semaphore(%run_scoped3A : memref<!tpu.dma_semaphore, #tpu.memory_space<semaphore_mem>>)
        %dma_wait3A = arith.constant 0 : i32
        %dma_wait3A_69 = tpu.memref_slice %arg4[%select_n3A_43, %select_n3A_58, %dma_wait3A] : memref<28x28x1024xf32, #tpu.memory_space<hbm>> -> memref<1x1x1024xf32, #tpu.memory_space<hbm>>
        %dma_wait3A_70 = tpu.memref_squeeze %dma_wait3A_69 : memref<1x1x1024xf32, #tpu.memory_space<hbm>> -> memref<1x1024xf32, #tpu.memory_space<hbm>>
        %dma_wait3A_71 = arith.constant 0 : i32
        %dma_wait3A_72 = tpu.memref_slice %arg4[%select_n3A_43, %select_n3A_58, %dma_wait3A_71] : memref<28x28x1024xf32, #tpu.memory_space<hbm>> -> memref<1x1x1024xf32, #tpu.memory_space<hbm>>
        %dma_wait3A_73 = tpu.memref_squeeze %dma_wait3A_72 : memref<1x1x1024xf32, #tpu.memory_space<hbm>> -> memref<1x1024xf32, #tpu.memory_space<hbm>>
        tpu.wait_dma2 semaphore(%run_scoped3A : memref<!tpu.dma_semaphore, #tpu.memory_space<semaphore_mem>>) src(%dma_wait3A_73 : memref<1x1024xf32, #tpu.memory_space<hbm>>) dst(%arg7 : memref<1x1024xf32, #tpu.memory_space<vmem>>)
        tpu.yield
      }) : () -> ()
      %scan3A = arith.constant 0 : i32
      %scan3A_59 = arith.constant 64 : i32
      %scan3A_60 = arith.addi %scan3A, %scan3A_59 : i32
      %scan3A_61 = arith.constant 1 : i32
      %scan3A_62 = scf.for %scan3A_64 = %scan3A to %scan3A_60 step %scan3A_61 iter_args(%scan3A_65 = %while3A_20) -> (vector<16xf32>)  : i32 {
        %mul3A_66 = arith.constant 16 : i32
        %mul3A_67 = arith.muli %scan3A_64, %mul3A_66 : i32
        %iota3A = tpu.iota {dimensions = array<i32: 0>} : vector<16xi32>
        %add3A_68 = vector.broadcast %mul3A_67 : i32 to vector<16xi32>
        %add3A_69 = arith.addi %iota3A, %add3A_68 : vector<16xi32>
        %get3A = arith.index_cast %mul3A_67 : i32 to index
        %get3A_70 = tpu.vector_load %arg8[%get3A] {strides = array<i32>} : memref<1024xi32, #tpu.memory_space<vmem>>, vector<16xi32>,
        %gather3A = tpu.vector_load_idx %arg6[%get3A_70, %add3A_69] : memref<81x1024xf32, #tpu.memory_space<vmem>>[vector<16xi32>, vector<16xi32>], vector<16xf32>,
        %get3A_71 = arith.constant 0 : i32
        %get3A_72 = arith.index_cast %get3A_71 : i32 to index
        %get3A_73 = arith.index_cast %mul3A_67 : i32 to index
        %get3A_74 = tpu.vector_load %arg7[%get3A_72, %get3A_73] {strides = array<i32>} : memref<1x1024xf32, #tpu.memory_space<vmem>>, vector<16xf32>,
        %abs3A = math.absf %gather3A : vector<16xf32>
        %neg3A = arith.constant 0.000000e+00 : f32
        %neg3A_75 = vector.broadcast %neg3A : f32 to vector<16xf32>
        %neg3A_76 = arith.subf %neg3A_75, %abs3A : vector<16xf32>
        %exp3A = math.exp %neg3A_76 : vector<16xf32>
        %max3A = arith.constant 0.000000e+00 : f32
        %max3A_77 = vector.broadcast %max3A : f32 to vector<16xf32>
        %max3A_78 = arith.maximumf %gather3A, %max3A_77 : vector<16xf32>
        %mul3A_79 = arith.mulf %gather3A, %get3A_74 : vector<16xf32>
        %sub3A_80 = arith.subf %max3A_78, %mul3A_79 : vector<16xf32>
        %broadcast_in_dim3A_81 = arith.constant 0.0142028257 : f32
        %broadcast_in_dim3A_82 = vector.broadcast %broadcast_in_dim3A_81 : f32 to vector<16xf32>
        %mul3A_83 = arith.mulf %broadcast_in_dim3A_82, %exp3A : vector<16xf32>
        %add3A_84 = arith.constant -0.0665880516 : f32
        %add3A_85 = vector.broadcast %add3A_84 : f32 to vector<16xf32>
        %add3A_86 = arith.addf %mul3A_83, %add3A_85 : vector<16xf32>
        %mul3A_87 = arith.mulf %add3A_86, %exp3A : vector<16xf32>
        %add3A_88 = arith.constant 0.149434581 : f32
        %add3A_89 = vector.broadcast %add3A_88 : f32 to vector<16xf32>
        %add3A_90 = arith.addf %mul3A_87, %add3A_89 : vector<16xf32>
        %mul3A_91 = arith.mulf %add3A_90, %exp3A : vector<16xf32>
        %add3A_92 = arith.constant -0.235148638 : f32
        %add3A_93 = vector.broadcast %add3A_92 : f32 to vector<16xf32>
        %add3A_94 = arith.addf %mul3A_91, %add3A_93 : vector<16xf32>
        %mul3A_95 = arith.mulf %add3A_94, %exp3A : vector<16xf32>
        %add3A_96 = arith.constant 0.331120521 : f32
        %add3A_97 = vector.broadcast %add3A_96 : f32 to vector<16xf32>
        %add3A_98 = arith.addf %mul3A_95, %add3A_97 : vector<16xf32>
        %mul3A_99 = arith.mulf %add3A_98, %exp3A : vector<16xf32>
        %add3A_100 = arith.constant -0.49987191 : f32
        %add3A_101 = vector.broadcast %add3A_100 : f32 to vector<16xf32>
        %add3A_102 = arith.addf %mul3A_99, %add3A_101 : vector<16xf32>
        %mul3A_103 = arith.mulf %add3A_102, %exp3A : vector<16xf32>
        %add3A_104 = arith.constant 0.999998748 : f32
        %add3A_105 = vector.broadcast %add3A_104 : f32 to vector<16xf32>
        %add3A_106 = arith.addf %mul3A_103, %add3A_105 : vector<16xf32>
        %mul3A_107 = arith.mulf %exp3A, %add3A_106 : vector<16xf32>
        %add3A_108 = arith.addf %sub3A_80, %mul3A_107 : vector<16xf32>
        %add3A_109 = arith.addf %scan3A_65, %add3A_108 : vector<16xf32>
        scf.yield %add3A_109 : vector<16xf32>
      }
      %scan3A_63 = arith.constant 64 : i32
      scf.yield %scan3A_62 : vector<16xf32>
    }
    %swap3A = arith.constant 0 : index
    %swap3A_16 = tpu.vector_load %arg9[%swap3A] {strides = array<i32>} : memref<16xf32, #tpu.memory_space<vmem>>, vector<16xf32>,
    tpu.vector_store %arg9[%swap3A], %while3A_15 {strides = array<i32>} : memref<16xf32, #tpu.memory_space<vmem>>, vector<16xf32>,
    %mul3A_17 = arith.constant 16 : i32
    %mul3A_18 = arith.muli %add3A, %mul3A_17 : i32
    "tpu.region"() ({
      %run_scoped3A = tpu.sem_alloc : memref<!tpu.dma_semaphore, #tpu.memory_space<semaphore_mem>>
      %dma_start3A = tpu.memref_slice %arg5[%mul3A_18] : memref<512xf32, #tpu.memory_space<hbm>> -> memref<16xf32, #tpu.memory_space<hbm>>
      %dma_start3A_19 = tpu.memref_slice %arg5[%mul3A_18] : memref<512xf32, #tpu.memory_space<hbm>> -> memref<16xf32, #tpu.memory_space<hbm>>
      tpu.enqueue_dma source(%arg9 : memref<16xf32, #tpu.memory_space<vmem>>) target(%dma_start3A_19 : memref<16xf32, #tpu.memory_space<hbm>>) target_semaphore(%run_scoped3A : memref<!tpu.dma_semaphore, #tpu.memory_space<semaphore_mem>>)
      %dma_wait3A = tpu.memref_slice %arg5[%mul3A_18] : memref<512xf32, #tpu.memory_space<hbm>> -> memref<16xf32, #tpu.memory_space<hbm>>
      %dma_wait3A_20 = tpu.memref_slice %arg5[%mul3A_18] : memref<512xf32, #tpu.memory_space<hbm>> -> memref<16xf32, #tpu.memory_space<hbm>>
      tpu.wait_dma2 semaphore(%run_scoped3A : memref<!tpu.dma_semaphore, #tpu.memory_space<semaphore_mem>>) src(%arg9 : memref<16xf32, #tpu.memory_space<vmem>>) dst(%dma_wait3A_20 : memref<16xf32, #tpu.memory_space<hbm>>)
      tpu.yield
    }) : () -> ()
    return
  }
}

module attributes {stable_mosaic.version = 14 : i64} {
  func.func @_tc_body(%arg0: i32, %arg1: memref<1x1024xi32, #tpu.memory_space<vmem>>, %arg2: memref<1x28x81x1024xf32, #tpu.memory_space<vmem>>, %arg3: memref<1x28x1024xf32, #tpu.memory_space<vmem>>, %arg4: memref<1x1xf32, #tpu.memory_space<smem>>) attributes {dimension_semantics = [#tpu.dimension_semantics<arbitrary>], iteration_bounds = array<i64: 20>, scalar_prefetch = 0 : i64, scratch_operands = 0 : i64, tpu.core_type = #tpu.core_type<tc>, window_params = [{pipeline_mode = #tpu.pipeline_mode<synchronous>, transform_indices = @transform_0, window_bounds = array<i64: 1, 1024>}, {transform_indices = @transform_1, window_bounds = array<i64: 1, 28, 81, 1024>}, {transform_indices = @transform_2, window_bounds = array<i64: 1, 28, 1024>}, {transform_indices = @transform_3, window_bounds = array<i64: 1, 1>}]} {
    %get3A = arith.constant 0 : index
    %get3A_0 = arith.constant 0 : index
    %get3A_1 = vector.load %arg1[%get3A, %get3A_0] : memref<1x1024xi32, #tpu.memory_space<vmem>>, vector<1x1024xi32>
    %iota3A = tpu.iota {dimensions = array<i32: 0>} : vector<81x1024xi32>
    %eq3A = vector.broadcast %get3A_1 : vector<1x1024xi32> to vector<81x1024xi32>
    %eq3A_2 = arith.cmpi eq, %iota3A, %eq3A : vector<81x1024xi32>
    %convert_element_type3A = arith.extui %eq3A_2 : vector<81x1024xi1> to vector<81x1024xi32>
    %convert_element_type3A_3 = arith.sitofp %convert_element_type3A : vector<81x1024xi32> to vector<81x1024xf32>
    %get3A_4 = arith.constant 0 : index
    %get3A_5 = arith.constant 0 : index
    %get3A_6 = arith.constant 0 : index
    %get3A_7 = arith.constant 0 : index
    %get3A_8 = vector.load %arg2[%get3A_4, %get3A_5, %get3A_6, %get3A_7] : memref<1x28x81x1024xf32, #tpu.memory_space<vmem>>, vector<1x28x81x1024xf32>
    %get3A_9 = vector.shape_cast %get3A_8 : vector<1x28x81x1024xf32> to vector<28x81x1024xf32>
    %broadcast_in_dim3A = vector.shape_cast %convert_element_type3A_3 : vector<81x1024xf32> to vector<1x81x1024xf32>
    %mul3A = vector.broadcast %broadcast_in_dim3A : vector<1x81x1024xf32> to vector<28x81x1024xf32>
    %mul3A_10 = arith.mulf %get3A_9, %mul3A : vector<28x81x1024xf32>
    %reduce_sum3A = arith.constant dense<0.000000e+00> : vector<28x1024xf32>
    %reduce_sum3A_11 = vector.multi_reduction <add>, %mul3A_10, %reduce_sum3A [1] : vector<28x81x1024xf32> to vector<28x1024xf32>
    %get3A_12 = arith.constant 0 : index
    %get3A_13 = arith.constant 0 : index
    %get3A_14 = arith.constant 0 : index
    %get3A_15 = vector.load %arg3[%get3A_12, %get3A_13, %get3A_14] : memref<1x28x1024xf32, #tpu.memory_space<vmem>>, vector<1x28x1024xf32>
    %get3A_16 = vector.shape_cast %get3A_15 : vector<1x28x1024xf32> to vector<28x1024xf32>
    %max3A = arith.constant 0.000000e+00 : f32
    %max3A_17 = vector.broadcast %max3A : f32 to vector<28x1024xf32>
    %max3A_18 = arith.maximumf %reduce_sum3A_11, %max3A_17 : vector<28x1024xf32>
    %mul3A_19 = arith.mulf %reduce_sum3A_11, %get3A_16 : vector<28x1024xf32>
    %sub3A = arith.subf %max3A_18, %mul3A_19 : vector<28x1024xf32>
    %abs3A = math.absf %reduce_sum3A_11 : vector<28x1024xf32>
    %neg3A = arith.constant 0.000000e+00 : f32
    %neg3A_20 = vector.broadcast %neg3A : f32 to vector<28x1024xf32>
    %neg3A_21 = arith.subf %neg3A_20, %abs3A : vector<28x1024xf32>
    %exp3A = math.exp %neg3A_21 : vector<28x1024xf32>
    %log1p3A = math.log1p %exp3A : vector<28x1024xf32>
    %add3A = arith.addf %sub3A, %log1p3A : vector<28x1024xf32>
    %reduce_sum3A_22 = vector.shape_cast %add3A : vector<28x1024xf32> to vector<1x28x1024xf32>
    %reduce_sum3A_23 = arith.constant dense<0.000000e+00> : vector<1xf32>
    %reduce_sum3A_24 = vector.multi_reduction <add>, %reduce_sum3A_22, %reduce_sum3A_23 [1, 2] : vector<1x28x1024xf32> to vector<1xf32>
    %reduce_sum3A_25 = vector.shape_cast %reduce_sum3A_24 : vector<1xf32> to vector<1x1x1xf32>
    %reduce_sum3A_26 = vector.extract %reduce_sum3A_25[0, 0, 0] : f32 from vector<1x1x1xf32>
    %eq3A_27 = arith.constant 0 : i32
    %eq3A_28 = arith.cmpi eq, %arg0, %eq3A_27 : i32
    %get3A_29 = arith.constant 0 : index
    %get3A_30 = arith.constant 0 : index
    %get3A_31 = memref.load %arg4[%get3A_29, %get3A_30] : memref<1x1xf32, #tpu.memory_space<smem>>
    %jit3A = arith.constant 0.000000e+00 : f32
    %select_n3A = arith.select %eq3A_28, %jit3A, %get3A_31 : f32
    %add3A_32 = arith.addf %select_n3A, %reduce_sum3A_26 : f32
    %swap3A = arith.constant 0 : index
    %swap3A_33 = arith.constant 0 : index
    %swap3A_34 = memref.load %arg4[%swap3A, %swap3A_33] : memref<1x1xf32, #tpu.memory_space<smem>>
    memref.store %add3A_32, %arg4[%swap3A, %swap3A_33] : memref<1x1xf32, #tpu.memory_space<smem>>
    return
  }
  func.func @transform_0(%arg0: i32) -> (i32, i32) {
    %c0_i32 = arith.constant 0 : i32
    %c0_i32_0 = arith.constant 0 : i32
    %c0_i32_1 = arith.constant 0 : i32
    return %c0_i32, %c0_i32_0 : i32, i32
  }
  func.func @transform_1(%arg0: i32) -> (i32, i32, i32, i32) {
    %c0_i32 = arith.constant 0 : i32
    %c0_i32_0 = arith.constant 0 : i32
    %c0_i32_1 = arith.constant 0 : i32
    %c0_i32_2 = arith.constant 0 : i32
    return %arg0, %c0_i32, %c0_i32_0, %c0_i32_1 : i32, i32, i32, i32
  }
  func.func @transform_2(%arg0: i32) -> (i32, i32, i32) {
    %c0_i32 = arith.constant 0 : i32
    %c0_i32_0 = arith.constant 0 : i32
    %c0_i32_1 = arith.constant 0 : i32
    return %arg0, %c0_i32, %c0_i32_0 : i32, i32, i32
  }
  func.func @transform_3(%arg0: i32) -> (i32, i32) {
    %c0_i32 = arith.constant 0 : i32
    %c0_i32_0 = arith.constant 0 : i32
    %c0_i32_1 = arith.constant 0 : i32
    return %c0_i32, %c0_i32_0 : i32, i32
  }
}

</mosaic_0001>

<sc_bundles>
// kernel: kernel.4.cloned.1.call-start
scs
__scs_entry_jumppad:
0x0: {  	(pc) =	sbr.rel $0x88, $3  }
0x1: {  	(tag) =	ssettag $0x0;
	lr =	simm.s32 $0x1  }
0x2: {  	[smem:$0x3F9E] =	sst lr;
	_ =	strace $0xD0000000  }
0x3: {  	_ = 	snop  }
0x4: {  	_ = 	snop  }
0x5: {  	_ = 	snop  }
0x6: {  	_ = 	snop  }
0x7: {  	_ = 	snop  }
__scs_overlays_trampoline_lowered:
0x8: {  	[smem:$0x3FAD] =	sst s0  }
0x9: {  	[smem:$0x3FAE] =	sst s1  }
0xa: {  	[smem:$0x3FAF] =	sst s2  }
0xb: {  	[smem:$0x3FB0] =	sst s3  }
0xc: {  	[smem:$0x3FB1] =	sst s4  }
0xd: {  	[smem:$0x3FB2] =	sst s5  }
0xe: {  	[smem:$0x3FB3] =	sst s6  }
0xf: {  	[smem:$0x3FB4] =	sst s7  }
0x10: {  	[smem:$0x3FB5] =	sst s8  }
0x11: {  	[smem:$0x3FB6] =	sst s9;
	s0 =	simm.s32 @!p0 $0x0  }
0x12: {  	s1 =	sld [smem:$0x3F9C];
	s0 =	simm.s32 @p0 $0x1  }
0x13: {  	[smem:$0x3FB7] =	sst s0;
	s0 =	simm.s32 @!p1 $0x0  }
0x14: {  	s2 =	sld [smem:$0x3F9B];
	s0 =	simm.s32 @p1 $0x1  }
0x15: {  	[smem:$0x3FB8] =	sst s0;
	s0 =	simm.s32 @!p2 $0x0  }
0x16: {  	s3 =	sld [smem:$0x3FDB];
	s0 =	simm.s32 @p2 $0x1  }
0x17: {  	s4 =	simm.s32 $0x1BF5;
	[smem:$0x3FBA] =	sst s0  }
0x18: {  	s0 =	sld [smem:$0x3F9D];
	_ =	swait.ge [sflag:s4], $0x0  }
0x19: {  	s7 =	sld [smem:$0x3F9E]  }
0x1a: {  	s8 =	sadd.s32 $0xFFFFE003, lr  }
0x1b: {  	s9 =	sadd.s32 $0xFFFFFEF7, lr;
	s5 =	simm.s32 $0xFFFFFFFF;
	p2 =	slt.u32 s8, $0xFFFFF086  }
0x1c: {  	p1 =	slt.u32 s9, $0xF7A;
	s5 =	simm.s32 @!p2 $0x0  }
0x1d: {  	s5 =	simm.s32 @p1 $0x1;
	p0 =	seq.s32 s7, s2  }
0x1e: {  	s7 =	smul.u32 @!p0 $0xF7A, s2;
	p2 =	seq.s32 @!p0 s5, $0x0  }
0x1f: {  	s9 =	smul.u32 $0xF7A, s1;
	s8 =	simm.s32 @!p0 $0x1BF5;
	p2 =	por !p2, p0  }
0x20: {  	[sflag:s8] =	ssyncset.s32 @!p0 $0xFFFFF086;
	s6 =	sadd.s32 @!p0 s3, s7;
	s7 =	simm.s32 @!p0 $0x108  }
0x21: {  	s3 =	sadd.s32 s3, s9;
	s6 =	sadd.s32 @!p0 $0x88, s6;
	s7 =	simm.s32 @p2 $0x1082  }
0x22: {  	[simem:s7], [sflag:s8] =	dma.local @!p0 [hbm:s6], $0xF7A  }
0x23: {  	s9 =	sor.u32 $0xD0000000, s2;
	s6 =	simm.s32 $0x108;
	_ =	swait.ge @!p0 [sflag:s8], $0x0  }
0x24: {  	s3 =	sadd.s32 $0x88, s3;
	s6 =	simm.s32 @!p1 $0x1082;
	[sflag:s4] =	ssyncset.s32 $0xFFFFF086  }
0x25: {  	[simem:s6], [sflag:s4] =	dma.local [hbm:s3], $0xF7A  }
0x26: {  	[smem:$0x3F9E] =	sst s1;
	(tag) =	ssettag s2;
	_ =	strace s9  }
0x27: {  	s1 =	sld [smem:$0x3FAE]  }
0x28: {  	s2 =	sld [smem:$0x3FAF]  }
0x29: {  	s4 =	sld [smem:$0x3FB1]  }
0x2a: {  	p0 =	seq.s32 s5, $0x0;
	s5 =	sld [smem:$0x3FB2]  }
0x2b: {  	s6 =	sld [smem:$0x3FB3]  }
0x2c: {  	s7 =	sld [smem:$0x3FB4]  }
0x2d: {  	s3 =	simm.s32 $0x108;
	s8 =	sld [smem:$0x3FB5]  }
0x2e: {  	s3 =	simm.s32 @!p0 $0x1082;
	s9 =	sld [smem:$0x3FB6]  }
0x2f: {  	lr =	sadd.s32 s0, s3;
	s0 =	sld [smem:$0x3FAD]  }
0x30: {  	s3 =	sld [smem:$0x3FB0]  }
0x31: {  	[smem:$0x3FB9] =	sst s10  }
0x32: {  	s10 =	sld [smem:$0x3FB7];
	_ =	sdelay $0x3  }
0x33: {  	p0 =	seq.s32 s10, $0x1;
	s10 =	sld [smem:$0x3FB9];
	_ =	sdelay $0x3  }
0x34: {  	[smem:$0x3FB9] =	sst s10  }
0x35: {  	s10 =	sld [smem:$0x3FB8];
	_ =	sdelay $0x3  }
0x36: {  	p1 =	seq.s32 s10, $0x1;
	s10 =	sld [smem:$0x3FB9];
	_ =	sdelay $0x3  }
0x37: {  	[smem:$0x3FB9] =	sst s10  }
0x38: {  	s10 =	sld [smem:$0x3FBA]  }
0x39: {  	_ = 	snop;
	(pc) =	sbr.ind lr, $3  }
0x3a: {  	_ = 	snop  }
0x3b: {  	_ = 	snop  }
0x3c: {  	p2 =	seq.s32 s10, $0x1;
	s10 =	sld [smem:$0x3FB9]  }
0x3d: {  	_ =	shalt  }
0x3e: {  	_ =	shalt  }
0x3f: {  	_ =	shalt  }
0x40: {  	_ =	shalt  }
0x41: {  	_ =	shalt  }
0x42: {  	_ =	shalt  }
0x43: {  	_ =	shalt  }
0x44: {  	_ =	shalt  }
0x45: {  	_ =	shalt  }
0x46: {  	_ =	shalt  }
0x47: {  	_ =	shalt  }
0x48: {  	_ =	shalt  }
0x49: {  	_ =	shalt  }
0x4a: {  	_ =	shalt  }
0x4b: {  	_ =	shalt  }
0x4c: {  	_ =	shalt  }
0x4d: {  	_ =	shalt  }
0x4e: {  	_ =	shalt  }
0x4f: {  	_ =	shalt  }
0x50: {  	_ =	shalt  }
0x51: {  	_ =	shalt  }
0x52: {  	_ =	shalt  }
0x53: {  	_ =	shalt  }
0x54: {  	_ =	shalt  }
0x55: {  	_ =	shalt  }
0x56: {  	_ =	shalt  }
0x57: {  	_ =	shalt  }
0x58: {  	_ =	shalt  }
0x59: {  	_ =	shalt  }
0x5a: {  	_ =	shalt  }
0x5b: {  	_ =	shalt  }
0x5c: {  	_ =	shalt  }
0x5d: {  	_ =	shalt  }
0x5e: {  	_ =	shalt  }
0x5f: {  	_ =	shalt  }
0x60: {  	_ =	shalt  }
0x61: {  	_ =	shalt  }
0x62: {  	_ =	shalt  }
0x63: {  	_ =	shalt  }
0x64: {  	_ =	shalt  }
0x65: {  	_ =	shalt  }
0x66: {  	_ =	shalt  }
0x67: {  	_ =	shalt  }
0x68: {  	_ =	shalt  }
0x69: {  	_ =	shalt  }
0x6a: {  	_ =	shalt  }
0x6b: {  	_ =	shalt  }
0x6c: {  	_ =	shalt  }
0x6d: {  	_ =	shalt  }
0x6e: {  	_ =	shalt  }
0x6f: {  	_ =	shalt  }
0x70: {  	_ =	shalt  }
0x71: {  	_ =	shalt  }
0x72: {  	_ =	shalt  }
0x73: {  	_ =	shalt  }
0x74: {  	_ =	shalt  }
0x75: {  	_ =	shalt  }
0x76: {  	_ =	shalt  }
0x77: {  	_ =	shalt  }
0x78: {  	_ =	shalt  }
0x79: {  	_ =	shalt  }
0x7a: {  	_ =	shalt  }
0x7b: {  	_ =	shalt  }
0x7c: {  	_ =	shalt  }
0x7d: {  	_ =	shalt  }
0x7e: {  	_ =	shalt  }
0x7f: {  	_ =	shalt  }
0x80: {  	_ =	shalt  }
0x81: {  	_ =	shalt  }
0x82: {  	_ =	shalt  }
0x83: {  	_ =	shalt  }
0x84: {  	_ =	shalt  }
0x85: {  	_ =	shalt  }
0x86: {  	_ =	shalt  }
0x87: {  	_ =	shalt  }
.Lfunc_end0:
.L_simem_size_0:
called_computation_lowered:
.L_overlay_start_0:
0x88: {  	s2 =	sld [smem:$0x3FD9]  }
0x89: {  	s3 =	sld [smem:$0x3FFE];
	_ =	sdelay $0x1  }
0x8a: {  	s1 =	srdreg.scid  }
0x8b: {  	s0 =	sand.u32 $0x1, s1  }
0x8c: {  	s17 =	sshll.u32 s0, $0xA;
	s2 =	sadd.s32 s3, s2  }
0x8d: {  	s2 =	sadd.s32 s2, s17  }
0x8e: {  	[smem:$0x3FC5] =	sst s2  }
0x8f: {  	_ = 	snop  }
0x90: {  	s2 =	sld [smem:$0x3FC9]  }
0x91: {  	s18 =	sld [smem:$0x3FC8]  }
0x92: {  	s4 =	sld [smem:$0x3FC7];
	(tm) =	ssettm $0x1  }
0x93: {  	s5 =	sld [smem:$0x3FFB];
	_ =	sdelay $0x3  }
0x94: {  	_ =	strace s5  }
0x95: {  	s5 =	sld [smem:$0x3FFC];
	_ =	sdelay $0x3  }
0x96: {  	_ =	strace s5  }
0x97: {  	s5 =	sld [smem:$0x3FFD];
	_ =	sdelay $0x3  }
0x98: {  	_ =	strace s5  }
0x99: {  	_ =	strace $0x8FFFFFFF  }
0x9a: {  	s19 =	sld [smem:$0x3FDB];
	_ =	sdelay $0x1  }
0x9b: {  	s6 =	simm.s32 $_scs_section_size  }
0x9c: {  	s7 =	simm.s32 $_size__tile_overlayer_lowered;
	s8 =	simm.s32 $_tile_overlayer_lowered  }
0x9d: {  	s22 =	simm.s32 $0x1BFF;
	s21 =	sshll.u32 s8, $0x1;
	s5 =	sadd.s32 s6, s19  }
0x9e: {  	s9 =	simm.s32 $0x0;
	s20 =	sshll.u32 s7, $0x1;
	s7 =	sadd.s32 s21, s5  }
0x9f: {  	[timem:s9], [sflag:s22] =	dma.local [hbm:s7], s20  }
0xa0: {  	_ =	swait.ge [sflag:s22], s20  }
0xa1: {  	s6 =	ssub.s32 $0x0, s20;
	[sflag:s22] =	ssyncset.done $0x0  }
0xa2: {  	[sflag:s22] =	ssyncadd.s32 s6;
	_ =	sdelay $0x1  }
0xa3: {  	s23 =	simm.s32 $0x1B8B  }
0xa4: {  	_ =	swait.ge [sflag:s23], $0x1  }
0xa5: {  	[sflag:s23] =	ssyncset.done $0x0  }
0xa6: {  	s25 =	simm.s32 $0x1B8E;
	s24 =	sld [smem:$0x3FFE];
	[sflag:s23] =	ssyncadd.s32 $0xFFFFFFFF  }
0xa7: {  	s26 =	simm.s32 $execute0_lowered;
	[smem:$0x3FD2] =	sst s25  }
0xa8: {  	s7 =	sshll.u32 s26, $0x1;
	_ =	strace $0x80000046;
	[dreg:$0x1] =	wrdreg $0xFFFFFFFF  }
0xa9: {  	s28 =	simm.s32 $_size_execute0_lowered;
	s5 =	sadd.s32 s5, s7;
	[dreg:$0x0] =	wrdreg $0x0  }
0xaa: {  	s7 =	sshll.u32 s28, $0x1;
	[dreg:$0x2] =	wrdreg s5  }
0xab: {  	[dreg:$0x3] =	wrdreg s7  }
0xac: {  	[dreg:$0x4] =	wrdreg $0xC0  }
0xad: {  	_ =	task [dreg:s9], $0x5FFFF  }
0xae: {  	[dreg:$0x1] =	wrdreg $0xFFFFFFFF  }
0xaf: {  	[dreg:$0x0] =	wrdreg $0x60  }
0xb0: {  	[dreg:$0x2] =	wrdreg s2  }
0xb1: {  	[dreg:$0x3] =	wrdreg s18  }
0xb2: {  	[dreg:$0x4] =	wrdreg s4  }
0xb3: {  	[dreg:$0x5] =	wrdreg s24  }
0xb4: {  	[dreg:$0x6] =	wrdreg $0x9  }
0xb5: {  	_ =	task.clear_ibuf [dreg:s9], $0x7FFFF;
	_ =	strace $0x90000046  }
0xb6: {  	s29 =	simm.s32 $0x9;
	_ =	strace $0x80000048  }
0xb7: {  	_ =	swait.ge [sflag:s29], $0x1  }
0xb8: {  	[sflag:s29] =	ssyncadd.s32 $0xFFFFFFFF  }
0xb9: {  	_ =	strace $0x90000048  }
0xba: {  	_ =	sfence  }
0xbb: {  	s30 =	sld [smem:$0x0];
	_ =	sdelay $0x2  }
0xbc: {  	s31 =	sshll.u32 s1, $0xD;
	s1 =	sshrl.u32 s1, $0x2  }
0xbd: {  	s3 =	sand.u32 $0x4000, s31;
	s1 =	sadd.s32 s1, s30  }
0xbe: {  	s0 =	sor.u32 s3, s0;
	s1 =	sshll.u32 s1, $0x11  }
0xbf: {  	s0 =	sor.u32 s1, s0  }
0xc0: {  	s0 =	sadd.s32 $0x8F2B, s0  }
0xc1: {  	[sflag:s0] =	ssyncadd.remote.s32 $0x1  }
0xc2: {  	_ =	sfence.sel $0xFFFF  }
0xc3: {  	[dreg:$0x0] =	wrdreg $0xFFFFFFFF;
	(pc) =	sbr.abs _section_cstart, $3  }
0xc4: {  	[dreg:$0x1] =	wrdreg $0xFFFFFFFF  }
0xc5: {  	_ =	task.clear_ibuf [dreg:s9], $0x2FFFF;
	_ =	strace $0x9FFFFFFF  }
0xc6: {  	(tm) =	ssettm $0x7FFFFFFF  }
0xc7: {  	_ =	shalt  }
tec
execute0_lowered:
.L_overlay_start_1:
0x0: {  	(tag) =	ssettag $0x1  }
0x1: {  	s1 =	rddreg [dreg:$0x0]  }
0x2: {  	s3 =	rddreg [dreg:$0x1]  }
0x3: {  	s4 =	rddreg [dreg:$0x2]  }
0x4: {  	s6 =	rddreg [dreg:$0x3]  }
0x5: {  	s5 =	srdreg.scid;
	s2 =	stileid.u32  }
0x6: {  	s0 =	rddreg [dreg:$0x4];
	s11 =	simm.s32 $0x80;
	s12 =	simm.s32 $0x400  }
0x7: {  	s13 =	simm.s32 $0x16800;
	s7 =	sand.u32 $0x1, s5;
	s8 =	sshll.u32 s2, $0x1  }
0x8: {  	s14 =	simm.s32 $0x0;
	s5 =	simm.s32 $0x0;
	s8 =	sor.u32 s7, s8  }
0x9: {  	s7 =	ssub.s32 $0x2, s7;
	[smem:$0x7FF] =	sst s5;
	s9 =	sshll.u32 s8, $0x1  }
0xa: {  	s10 =	sshrl.u32 s7, $0x1;
	_ =	strace $0x80000047;
	s9 =	sadd.s32 s9, s6  }
0xb: {  	s10 =	ssub.s32 s7, s10;
	s6 =	sadd.s32 $0x230, s8;
	s7 =	sadd.s32 $0x400, s9  }
0xc: {  	v0 =	vlaneseq.u32;
	s8 =	smax.u32 s10, $0x1;
	s9 =	simm.s32 $0x16400;
	s10 =	simm.s32 $0x1  }
.LBB2_1:
0xd: {  	[tilespmem:s9], [sflag:$0x1] =	stream.linear.gather [hbm4b:s3+s5], $0x400, $0x38;
	[tilespmem:$0x16880] =	vst v63  }
0xe: {  	_ =	swait.ge [sflag:s10], $0x400  }
0xf: {  	[sflag:s10] =	ssyncset.done $0x0  }
0x10: {  	v1 =	vimm.f32 $0.0e+00;
	s15 =	simm.s32 $0x0;
	[sflag:s10] =	ssyncadd.s32 $0xFFFFFC00  }
.LBB2_2:
0x11: {  	s16 =	sshll.u32 s15, $0x5  }
0x12: {  	s16 =	sadd.s32 s16, s6  }
0x13: {  	s17 =	smulhi.u32 $0x92492493, s16;
	_ =	sdelay $0x1  }
0x14: {  	s17 =	sshrl.u32 s17, $0x4  }
0x15: {  	s18 =	smul.u32 $0x1C, s17;
	_ =	sdelay $0x1  }
0x16: {  	s19 =	smul.u32 $0x268000, s17;
	s16 =	ssub.s32 s16, s18  }
0x17: {  	s18 =	smul.u32 $0x16000, s16;
	_ =	sdelay $0x1  }
0x18: {  	s18 =	sadd.s32 s18, s19  }
0x19: {  	s31 =	simm.s32 $0x0;
	s17 =	sshll.u32 s17, $0xC;
	s18 =	sshrl.u32 s18, $0x3  }
0x1a: {  	s17 =	sadd.s32 s4, s17;
	s20 =	sshll.u32 s16, $0x7;
	s18 =	sadd.s32 s1, s18  }
0x1b: {  	[tilespmem:s31], [sflag:$0x1] =	stream.linear.gather [hbm4b:s18+s31], $0x16000, $0x38;
	[tilespmem:$0x16880] =	vst v63  }
0x1c: {  	s16 =	sshll.u32 s16, $0x4;
	s18 =	sand.u32 $0xC00, s20;
	_ =	swait.ge [sflag:s10], $0x16000  }
0x1d: {  	s16 =	sand.u32 $0x70, s16;
	s17 =	sadd.s32 s18, s17;
	[sflag:s10] =	ssyncset.done $0x0  }
0x1e: {  	s17 =	sadd.s32 s16, s17;
	s16 =	simm.s32 $0x16000;
	[sflag:s10] =	ssyncadd.s32 $0xFFFEA000  }
0x1f: {  	[tilespmem:s16], [sflag:$0x1] =	stream.strided.gather [hbm4b:s17+s11], $0x400, s12, s11, $0x38;
	[tilespmem:$0x16880] =	vst v63  }
0x20: {  	_ =	swait.ge [sflag:s10], $0x400  }
0x21: {  	[sflag:s10] =	ssyncset.done $0x0  }
0x22: {  	s21 =	simm.s32 $0x16400;
	[sflag:s10] =	ssyncadd.s32 $0xFFFFFC00  }
0x23: {  	v2 =	vld [tilespmem:s21+$0x0];
	_ =	sdelay $0x2  }
0x24: {  	v3 =	vmov s31  }
0x25: {  	v4 =	vor.u32 s31, v0;
	v3 =	vshll.u32 v3, $0x3  }
0x26: {  	v4 =	vand.u32 $0x7F, v4;
	v3 =	vand.u32 $0x1C00, v3;
	v5 =	vshll.u32 v2, $0xA  }
0x27: {  	v3 =	vor.u32 v3, v4;
	v2 =	vshll.u32 v2, $0x7;
	v4 =	vand.u32 $0xFFFFE000, v5  }
0x28: {  	v2 =	vand.u32 $0x380, v2;
	v3 =	vor.u32 v4, v3  }
0x29: {  	v2 =	vor.u32 v2, v3;
	_ =	sdelay $0x2  }
0x2a: {  	s22 =	simm.s32 $0x16410  }
0x2b: {  	v3 =	vld [tilespmem:s22+$0x0]  }
0x2c: {  	s23 =	simm.s32 $0x10;
	v6 =	vld.idx.msk [tilespmem:v2+s5+$0x0], $0xffff  }
0x2d: {  	v4 =	vmov s23  }
0x2e: {  	v4 =	vshll.u32 v4, $0x3  }
0x2f: {  	v4 =	vand.u32 $0x1C00, v4;
	v2 =	vor.u32 s23, v0  }
0x30: {  	v5 =	vshll.u32 v3, $0xA;
	v3 =	vshll.u32 v3, $0x7;
	v2 =	vand.u32 $0x7F, v2  }
0x31: {  	v2 =	vor.u32 v4, v2;
	v4 =	vand.u32 $0xFFFFE000, v5;
	v5 =	vand.u32 $0x7FFFFFFF, v6  }
0x32: {  	v3 =	vand.u32 $0x380, v3;
	v2 =	vor.u32 v4, v2;
	v4 =	vsub.f32 $0.0e+00, v5  }
0x33: {  	v2 =	vor.u32 v3, v2  }
0x34: {  	v3 =	vmul.f32 $1.442695020e+00, v4  }
0x35: {  	s24 =	simm.s32 $0x16420  }
0x36: {  	v4 =	vld [tilespmem:s24+$0x0];
	(erf) = vpow2.f32 v3;
	_ =	sdelay $0x1  }
0x37: {  	s25 =	simm.s32 $0x20;
	v2 =	vld.idx.msk [tilespmem:v2+s5+$0x0], $0xffff  }
0x38: {  	v3 =	vmov s25  }
0x39: {  	v5 =	vor.u32 s25, v0;
	v3 =	vshll.u32 v3, $0x3  }
0x3a: {  	v5 =	vand.u32 $0x7F, v5;
	v3 =	vand.u32 $0x1C00, v3;
	v7 =	vshll.u32 v4, $0xA  }
0x3b: {  	v4 =	vshll.u32 v4, $0x7;
	v3 =	vor.u32 v3, v5;
	v5 =	vand.u32 $0xFFFFE000, v7  }
0x3c: {  	v4 =	vand.u32 $0x380, v4;
	v3 =	vor.u32 v5, v3;
	v5 =	vand.u32 $0x7FFFFFFF, v2  }
0x3d: {  	v3 =	vor.u32 v4, v3;
	v4 =	vsub.f32 $0.0e+00, v5  }
0x3e: {  	v8 =	vpop (erf)  }
0x3f: {  	s26 =	simm.s32 $0x16430;
	v4 =	vmul.f32 $1.442695020e+00, v4;
	v5 =	vmul.f32 $1.420282570e-02, v8  }
0x40: {  	v7 =	vld [tilespmem:s26+$0x0]  }
0x41: {  	(erf) = vpow2.f32 v4;
	v4 =	vadd.f32 $-6.658805160e-02, v5  }
0x42: {  	s28 =	simm.s32 $0x30;
	v3 =	vld.idx.msk [tilespmem:v3+s5+$0x0], $0xffff  }
0x43: {  	v9 =	vor.u32 s28, v0;
	v5 =	vmov s28;
	v4 =	vmul.f32 v4, v8  }
0x44: {  	v9 =	vand.u32 $0x7F, v9;
	v5 =	vshll.u32 v5, $0x3  }
0x45: {  	v10 =	vshll.u32 v7, $0xA;
	v5 =	vand.u32 $0x1C00, v5;
	v4 =	vadd.f32 $1.494345810e-01, v4  }
0x46: {  	v7 =	vshll.u32 v7, $0x7;
	v5 =	vor.u32 v5, v9;
	v9 =	vand.u32 $0xFFFFE000, v10  }
0x47: {  	v10 =	vand.u32 $0x7FFFFFFF, v3;
	v5 =	vor.u32 v9, v5;
	v4 =	vmul.f32 v4, v8  }
0x48: {  	v7 =	vand.u32 $0x380, v7;
	v9 =	vsub.f32 $0.0e+00, v10  }
0x49: {  	v7 =	vor.u32 v7, v5;
	v4 =	vadd.f32 $-2.351486380e-01, v4  }
0x4a: {  	s29 =	simm.s32 $0x16440;
	v5 =	vpop (erf);
	v9 =	vmul.f32 $1.442695020e+00, v9  }
0x4b: {  	s30 =	simm.s32 $0x40;
	v11 =	vld [tilespmem:s29+$0x0];
	v10 =	vmul.f32 $1.420282570e-02, v5;
	v4 =	vmul.f32 v4, v8  }
0x4c: {  	(erf) = vpow2.f32 v9;
	v9 =	vmov s30  }
0x4d: {  	v10 =	vadd.f32 $-6.658805160e-02, v10;
	v9 =	vshll.u32 v9, $0x3;
	v13 =	vadd.f32 $3.311205210e-01, v4  }
0x4e: {  	v12 =	vor.u32 s30, v0;
	v9 =	vand.u32 $0x1C00, v9;
	v4 =	vld.idx.msk [tilespmem:v7+s5+$0x0], $0xffff  }
0x4f: {  	v7 =	vand.u32 $0x7F, v12;
	v10 =	vmul.f32 v10, v5;
	v12 =	vmul.f32 v13, v8  }
0x50: {  	v14 =	vld [tilespmem:s16+$0x0];
	v7 =	vor.u32 v9, v7;
	v13 =	vshll.u32 v11, $0xA;
	v11 =	vshll.u32 v11, $0x7  }
0x51: {  	v10 =	vadd.f32 $1.494345810e-01, v10;
	v9 =	vand.u32 $0xFFFFE000, v13;
	v12 =	vadd.f32 $-4.998719100e-01, v12  }
0x52: {  	v11 =	vand.u32 $0x380, v11;
	v7 =	vor.u32 v9, v7  }
0x53: {  	s31 =	simm.s32 $0x50;
	v10 =	vmul.f32 v10, v5;
	v13 =	vand.u32 $0x7FFFFFFF, v4;
	v12 =	vmul.f32 v12, v8  }
0x54: {  	v9 =	vor.u32 s31, v0;
	v15 =	vor.u32 v11, v7;
	v11 =	vsub.f32 $0.0e+00, v13  }
0x55: {  	v10 =	vadd.f32 $-2.351486380e-01, v10;
	v13 =	vmul.f32 v14, v6;
	v7 =	vpop (erf);
	v12 =	vadd.f32 $9.999987480e-01, v12  }
0x56: {  	s17 =	simm.s32 $0x16450;
	v6 =	vmax.f32 v6, $0.0e+00;
	v11 =	vmul.f32 $1.442695020e+00, v11;
	v14 =	vmul.f32 $1.420282570e-02, v7  }
0x57: {  	v16 =	vmul.f32 v10, v5;
	v17 =	vsub.f32 v6, v13;
	v10 =	vld [tilespmem:s17+$0x0];
	v8 =	vmul.f32 v12, v8  }
0x58: {  	v6 =	vmov s31;
	(erf) = vpow2.f32 v11;
	v11 =	vadd.f32 $-6.658805160e-02, v14  }
0x59: {  	s18 =	simm.s32 $0x60;
	v13 =	vshll.u32 v6, $0x3;
	v6 =	vld.idx.msk [tilespmem:v15+s5+$0x0], $0xffff;
	v12 =	vadd.f32 $3.311205210e-01, v16;
	v8 =	vadd.f32 v8, v17  }
.LBB2_3:
0x5a: {  	p0 =	sne.s32 s18, $0x3F0;
	v9 =	vand.u32 $0x7F, v9;
	v13 =	vand.u32 $0x1C00, v13  }
0x5b: {  	v11 =	vmul.f32 v11, v7;
	s16 =	sadd.s32 $0x10, s16;
	v12 =	vmul.f32 v12, v5;
	v1 =	vadd.f32 v8, v1  }
0x5c: {  	v9 =	vor.u32 v13, v9;
	v8 =	vshll.u32 v10, $0xA;
	v10 =	vshll.u32 v10, $0x7;
	v13 =	vld [tilespmem:s16+$0x0]  }
0x5d: {  	v11 =	vadd.f32 $1.494345810e-01, v11;
	v8 =	vand.u32 $0xFFFFE000, v8;
	v12 =	vadd.f32 $-4.998719100e-01, v12  }
0x5e: {  	v10 =	vand.u32 $0x380, v10;
	v8 =	vor.u32 v8, v9  }
0x5f: {  	v15 =	vand.u32 $0x7FFFFFFF, v6;
	v11 =	vmul.f32 v11, v7;
	v12 =	vmul.f32 v12, v5  }
0x60: {  	v9 =	vor.u32 s18, v0;
	v8 =	vor.u32 v10, v8;
	v10 =	vsub.f32 $0.0e+00, v15  }
.Ltmp0:
0x61: {  	v11 =	vadd.f32 $-2.351486380e-01, v11;
	v14 =	vpop (erf);
	v13 =	vmul.f32 v13, v2;
	v12 =	vadd.f32 $9.999987480e-01, v12;
	(pc) =	sbr.rel @p0 .LBB2_3-.Ltmp0, $4  }
0x62: {  	s17 =	sadd.s32 $0x10, s17;
	v17 =	vmax.f32 v2, $0.0e+00;
	v15 =	vmul.f32 $1.442695020e+00, v10;
	v2 =	vmovc v3;
	v3 =	vmovc v4;
	v16 =	vmul.f32 $1.420282570e-02, v14  }
0x63: {  	v18 =	vmul.f32 v11, v7;
	v10 =	vld [tilespmem:s17+$0x0];
	v17 =	vsub.f32 v17, v13;
	v19 =	vmul.f32 v12, v5;
	v5 =	vmovc v7  }
0x64: {  	v4 =	vmovc v6;
	v12 =	vmov s18;
	v7 =	vmovc v14;
	(erf) = vpow2.f32 v15;
	v11 =	vadd.f32 $-6.658805160e-02, v16  }
0x65: {  	s18 =	sadd.s32 $0x10, s18;
	v13 =	vshll.u32 v12, $0x3;
	v12 =	vadd.f32 $3.311205210e-01, v18;
	v6 =	vld.idx.msk [tilespmem:v8+s5+$0x0], $0xffff;
	v8 =	vadd.f32 v19, v17  }
0x66: {  	_ =	sdelay $0x1  }
0x67: {  	v9 =	vand.u32 $0x7F, v9;
	v13 =	vand.u32 $0x1C00, v13;
	v14 =	vshll.u32 v10, $0xA  }
0x68: {  	v9 =	vor.u32 v13, v9;
	v34 =	vshll.u32 v10, $0x7;
	v35 =	vand.u32 $0xFFFFE000, v14  }
0x69: {  	v10 =	vand.u32 $0x380, v34;
	v9 =	vor.u32 v35, v9  }
0x6a: {  	v9 =	vor.u32 v10, v9;
	_ =	sdelay $0x4  }
0x6b: {  	v9 =	vld.idx.msk [tilespmem:v9+s5+$0x0], $0xffff;
	_ =	sdelay $0x2  }
0x6c: {  	v36 =	vand.u32 $0x7FFFFFFF, v6  }
0x6d: {  	v10 =	vsub.f32 $0.0e+00, v36  }
0x6e: {  	v37 =	vand.u32 $0x7FFFFFFF, v9  }
0x6f: {  	v10 =	vmul.f32 $1.442695020e+00, v10;
	v13 =	vsub.f32 $0.0e+00, v37;
	_ =	sdelay $0x1  }
0x70: {  	(erf) = vpow2.f32 v10;
	v38 =	vmul.f32 $1.442695020e+00, v13;
	_ =	sdelay $0x1  }
0x71: {  	(erf) = vpow2.f32 v38;
	_ =	sdelay $0x2  }
0x72: {  	v39 =	vmul.f32 v11, v7  }
0x73: {  	v40 =	vpop (erf)  }
0x74: {  	v41 =	vmul.f32 $1.420282570e-02, v40;
	v10 =	vadd.f32 $1.494345810e-01, v39;
	_ =	sdelay $0x1  }
0x75: {  	v10 =	vmul.f32 v10, v7;
	v42 =	vpop (erf);
	v13 =	vadd.f32 $-6.658805160e-02, v41  }
0x76: {  	v15 =	vmul.f32 $1.420282570e-02, v42  }
0x77: {  	s16 =	sadd.s32 $0x10, s16;
	v10 =	vadd.f32 $-2.351486380e-01, v10;
	v13 =	vmul.f32 v13, v40;
	v17 =	vpop (erf)  }
0x78: {  	v12 =	vmul.f32 v12, v5;
	v16 =	vld [tilespmem:s16+$0x0];
	v15 =	vadd.f32 $-6.658805160e-02, v15;
	v18 =	vmul.f32 $1.420282570e-02, v17  }
0x79: {  	v10 =	vmul.f32 v10, v7;
	v13 =	vadd.f32 $1.494345810e-01, v13  }
0x7a: {  	s16 =	sadd.s32 $0x10, s16;
	v12 =	vadd.f32 $-4.998719100e-01, v12;
	v15 =	vmul.f32 v15, v42;
	v18 =	vadd.f32 $-6.658805160e-02, v18  }
0x7b: {  	v1 =	vadd.f32 v8, v1;
	v19 =	vld [tilespmem:s16+$0x0];
	v10 =	vadd.f32 $3.311205210e-01, v10;
	v13 =	vmul.f32 v13, v40  }
0x7c: {  	v12 =	vmul.f32 v12, v5;
	v15 =	vadd.f32 $1.494345810e-01, v15;
	v18 =	vmul.f32 v18, v17  }
0x7d: {  	v16 =	vmul.f32 v16, v2;
	v10 =	vmul.f32 v10, v7;
	v13 =	vadd.f32 $-2.351486380e-01, v13  }
0x7e: {  	v2 =	vmax.f32 v2, $0.0e+00;
	v15 =	vmul.f32 v15, v42;
	v18 =	vadd.f32 $1.494345810e-01, v18  }
0x7f: {  	v12 =	vadd.f32 $9.999987480e-01, v12;
	v10 =	vadd.f32 $-4.998719100e-01, v10;
	v13 =	vmul.f32 v13, v40  }
0x80: {  	v50 =	vmul.f32 v19, v3;
	v44 =	vadd.f32 $-2.351486380e-01, v15;
	v45 =	vmul.f32 v18, v17  }
0x81: {  	v3 =	vmax.f32 v3, $0.0e+00;
	v46 =	vmul.f32 v10, v7;
	v47 =	vadd.f32 $3.311205210e-01, v13  }
0x82: {  	v2 =	vsub.f32 v2, v16;
	v48 =	vmul.f32 v44, v42;
	v49 =	vadd.f32 $-2.351486380e-01, v45  }
0x83: {  	s16 =	sadd.s32 $0x10, s16;
	v43 =	vmul.f32 v12, v5;
	v8 =	vadd.f32 $9.999987480e-01, v46;
	v10 =	vmul.f32 v47, v40  }
0x84: {  	v51 =	vld [tilespmem:s16+$0x0];
	v3 =	vsub.f32 v3, v50;
	v5 =	vadd.f32 $3.311205210e-01, v48;
	v12 =	vmul.f32 v49, v17  }
0x85: {  	v2 =	vadd.f32 v43, v2;
	v52 =	vmul.f32 v8, v7;
	v53 =	vadd.f32 $-4.998719100e-01, v10  }
0x86: {  	s16 =	sadd.s32 $0x10, s16;
	v5 =	vmul.f32 v5, v42;
	v12 =	vadd.f32 $3.311205210e-01, v12  }
0x87: {  	v54 =	vld [tilespmem:s16+$0x0];
	s16 =	sadd.s32 $0x10, s16;
	v1 =	vadd.f32 v2, v1;
	v2 =	vadd.f32 v52, v3;
	v3 =	vmul.f32 v53, v40  }
0x88: {  	v56 =	vld [tilespmem:s16+$0x0];
	v5 =	vadd.f32 $-4.998719100e-01, v5;
	v55 =	vmul.f32 v12, v17  }
0x89: {  	v1 =	vadd.f32 v2, v1;
	v2 =	vmul.f32 v51, v4;
	v3 =	vadd.f32 $9.999987480e-01, v3  }
0x8a: {  	v57 =	vmax.f32 v4, $0.0e+00;
	v5 =	vmul.f32 v5, v42;
	v7 =	vadd.f32 $-4.998719100e-01, v55  }
0x8b: {  	v2 =	vsub.f32 v57, v2;
	v3 =	vmul.f32 v3, v40  }
0x8c: {  	v58 =	vmul.f32 v54, v6;
	v5 =	vadd.f32 $9.999987480e-01, v5;
	v7 =	vmul.f32 v7, v17  }
0x8d: {  	v59 =	vmax.f32 v6, $0.0e+00;
	v61 =	vmul.f32 v56, v9;
	v2 =	vadd.f32 v3, v2  }
0x8e: {  	s15 =	sadd.s32 $0x1, s15;
	v3 =	vsub.f32 v59, v58;
	v60 =	vmul.f32 v5, v42;
	v62 =	vadd.f32 $9.999987480e-01, v7  }
0x8f: {  	p0 =	sne.s32 s15, $0x7;
	v1 =	vadd.f32 v2, v1;
	v2 =	vmax.f32 v9, $0.0e+00  }
.Ltmp1:
0x90: {  	v3 =	vadd.f32 v60, v3;
	v2 =	vsub.f32 v2, v61;
	v63 =	vmul.f32 v62, v17;
	(pc) =	sbr.rel @p0 .LBB2_2-.Ltmp1, $3  }
0x91: {  	_ = 	snop  }
0x92: {  	v1 =	vadd.f32 v3, v1;
	v2 =	vadd.f32 v63, v2;
	_ =	sdelay $0x1  }
0x93: {  	v1 =	vadd.f32 v2, v1  }
0x94: {  	s14 =	sadd.s32 $0x1, s14  }
0x95: {  	p0 =	sne.s32 s14, s8  }
.Ltmp2:
0x96: {  	[tilespmem:$0x16800] =	vst v1;
	(pc) =	sbr.rel @p0 .LBB2_1-.Ltmp2, $4  }
0x97: {  	[hbm4b:s7+s5] =	stream.linear.scatter [tilespmem:s13], [sflag:$0x1], $0x10, $0x38;
	[tilespmem:$0x16880] =	vst v63  }
0x98: {  	_ =	swait.ge [sflag:s10], $0x10  }
0x99: {  	[sflag:s10] =	ssyncset.done $0x0  }
0x9a: {  	[sflag:s10] =	ssyncadd.s32 $0xFFFFFFF0  }
0x9b: {  	_ =	sfence.sel $0x180000  }
0x9c: {  	[bflag:$0x0] =	sbarrier.arrive $0xFFFF  }
0x9d: {  	p0 =	sne.s32 s2, $0x0;
	_ =	strace $0x90000047  }
0x9e: {  	s0 =	sadd.s32 @!p0 $0x100000, s0;
	[bflag:$0x2] =	sbarrier.arrive $0xFFFF  }
0x9f: {  	[sflag:s0] =	ssyncadd.tile.s32 @!p0 $0x1;
	_ =	shalt  }
.Lfunc_end2:
_tile_overlayer_lowered:
.L_overlay_start_2:
0xa0: {  	(tag) =	ssettag $0x2  }
0xa1: {  	s0 =	rddreg [dreg:$0x0];
	s2 =	stileid.u32  }
0xa2: {  	s1 =	rddreg [dreg:$0x1];
	p0 =	sne.s32 s2, $0x0  }
0xa3: {  	s3 =	rddreg [dreg:$0x2];
	[bflag:$0x3] =	sbarrier.arrive $0xFFFF;
	s2 =	simm.s32 @!p0 $0x1C01  }
0xa4: {  	[timem:s3], [sflag:s2] =	dma.local @!p0 [hbm:s0], s1  }
0xa5: {  	s0 =	simm.s32 @!p0 $0x1  }
0xa6: {  	_ =	swait.ge @!p0 [sflag:s0], s1  }
0xa7: {  	s1 =	ssub.s32 @!p0 $0x0, s1;
	[sflag:s0] =	ssyncset.done @!p0 $0x0  }
0xa8: {  	[sflag:s0] =	ssyncadd.s32 @!p0 s1  }
0xa9: {  	[bflag:$0x3] =	sbarrier.arrive $0xFFFF  }
0xaa: {  	_ =	shalt  }

</sc_bundles>
